<compile_context>
chip_gen: v7x
topology: tpu7x:2x2x1
jax: 0.10.2.dev20260603
libtpu: 0.0.44.dev20260713+nightly
codegen_flags: <defaults>
</compile_context>

<pallas_src>
import jax
import jax.numpy as jnp
from jax import lax
from jax.experimental import pallas as pl
from jax.experimental.pallas import tpu as pltpu
from jax.experimental.pallas import tpu_sc as plsc

NC = 2
NS = 16
NW = NC * NS
HALF = 8192
D = 128
B_I = HALF // NW
CH = 128
NCH = B_I // CH


def _copy_body(x_hbm, out_hbm, rows_v, gsem, ssem):
    wid = lax.axis_index("s") * NC + lax.axis_index("c")
    i0 = wid * B_I
    gathers = []
    for c in range(NCH):
        for j in range(2):
            gathers.append(
                pltpu.async_copy(
                    x_hbm.at[1 + j, pl.ds(i0 + c * CH, CH), 1],
                    rows_v.at[c, pl.ds(0, CH), j],
                    gsem,
                )
            )
    scatters = []
    for c in range(NCH):
        gathers[2 * c].wait()
        gathers[2 * c + 1].wait()
        scatters.append(
            pltpu.async_copy(
                rows_v.at[c], out_hbm.at[pl.ds(i0 + c * CH, CH)], ssem
            )
        )
    for s in scatters:
        s.wait()


@jax.jit
def _run(xr):
    mesh = plsc.VectorSubcoreMesh(core_axis_name="c", subcore_axis_name="s")
    return pl.kernel(
        _copy_body,
        out_type=jax.ShapeDtypeStruct((HALF, 2, D), jnp.float32),
        mesh=mesh,
        scratch_types=[
            pltpu.VMEM((NCH, CH, 2, D), jnp.float32),
            pltpu.SemaphoreType.DMA,
            pltpu.SemaphoreType.DMA,
        ],
    )(xr)


def kernel(x):
    xr = jnp.transpose(x, (1, 0, 2)).reshape(50, HALF, 2, D)
    return _run(xr)

# --- scband reference (transcript-rebuilt; emitter-appended) ---
"""Pipeline reference for scband-module-index-80822694576542 (READ-ONLY COPY).

The authoritative reference and input builder live on the scoring server;
editing this copy changes nothing except your own understanding.
"""

import jax, jax.numpy as jnp
import numpy as np


def setup_inputs(seed: int = 0) -> dict:
    key = jax.random.key(seed)
    x = jax.random.normal(key, (16384, 50, 128), dtype=jnp.float32)
    return {"x": x}


def reference(x):
    # Faithful translation of: x[1::2, torch.tensor([1, 2])]
    idx = jnp.array([1, 2], dtype=jnp.int32)
    # strided slice on dim 0, then gather on dim 1
    return x[1::2, idx]

if __name__ == "__main__":
    import jax
    _d = setup_inputs()
    print(jax.jit(kernel)(*tuple(_d.values())))

</pallas_src>

<mosaic_0001>
#map = affine_map<(d0, d1) -> (0, 0, 0, 0)>
#map1 = affine_map<(d0, d1) -> (0, 0, 0)>
module attributes {stable_mosaic.version = 14 : i64} {
  func.func @_copy_body(%arg0: i32, %arg1: i32, %arg2: memref<50x8192x2x128xf32, #tpu.memory_space<hbm>>, %arg3: memref<8192x2x128xf32, #tpu.memory_space<hbm>>, %arg4: memref<2x128x2x128xf32, #tpu.memory_space<vmem>>, %arg5: memref<!tpu.dma_semaphore, #tpu.memory_space<semaphore_mem>>, %arg6: memref<!tpu.dma_semaphore, #tpu.memory_space<semaphore_mem>>) attributes {dimension_semantics = [#tpu.dimension_semantics<core_parallel>, #tpu.dimension_semantics<subcore_parallel>], iteration_bounds = array<i64: 2, 16>, scalar_prefetch = 0 : i64, scratch_operands = 3 : i64, tpu.core_type = #tpu.core_type<sc_vector_subcore>, window_params = [{transform_indices = #map}, {transform_indices = #map1}]} {
    %mul3A = arith.constant 2 : i32
    %mul3A_0 = arith.muli %arg1, %mul3A : i32
    %add3A = arith.addi %mul3A_0, %arg0 : i32
    %mul3A_1 = arith.constant 256 : i32
    %mul3A_2 = arith.muli %add3A, %mul3A_1 : i32
    %add3A_3 = arith.constant 0 : i32
    %add3A_4 = arith.addi %mul3A_2, %add3A_3 : i32
    %dma_start3A = arith.constant 1 : i32
    %dma_start3A_5 = arith.constant 1 : i32
    %dma_start3A_6 = arith.constant 0 : i32
    %dma_start3A_7 = arith.constant 0 : i32
    %dma_start3A_8 = arith.constant 0 : i32
    %dma_start3A_9 = arith.constant 0 : i32
    %dma_start3A_10 = tpu.memref_slice %arg4[%dma_start3A_6, %dma_start3A_8, %dma_start3A_7, %dma_start3A_9] : memref<2x128x2x128xf32, #tpu.memory_space<vmem>> -> memref<1x128x1x128xf32, #tpu.memory_space<vmem>>
    %dma_start3A_11 = tpu.memref_squeeze %dma_start3A_10 : memref<1x128x1x128xf32, #tpu.memory_space<vmem>> -> memref<128x128xf32, #tpu.memory_space<vmem>>
    %dma_start3A_12 = arith.constant 0 : i32
    %dma_start3A_13 = tpu.memref_slice %arg2[%dma_start3A, %add3A_4, %dma_start3A_5, %dma_start3A_12] : memref<50x8192x2x128xf32, #tpu.memory_space<hbm>> -> memref<1x128x1x128xf32, #tpu.memory_space<hbm>>
    %dma_start3A_14 = tpu.memref_squeeze %dma_start3A_13 : memref<1x128x1x128xf32, #tpu.memory_space<hbm>> -> memref<128x128xf32, #tpu.memory_space<hbm>>
    %dma_start3A_15 = arith.constant 0 : i32
    %dma_start3A_16 = arith.constant 0 : i32
    %dma_start3A_17 = tpu.memref_slice %arg4[%dma_start3A_6, %dma_start3A_15, %dma_start3A_7, %dma_start3A_16] : memref<2x128x2x128xf32, #tpu.memory_space<vmem>> -> memref<1x128x1x128xf32, #tpu.memory_space<vmem>>
    %dma_start3A_18 = tpu.memref_squeeze %dma_start3A_17 : memref<1x128x1x128xf32, #tpu.memory_space<vmem>> -> memref<128x128xf32, #tpu.memory_space<vmem>>
    %dma_start3A_19 = arith.constant 0 : i32
    %dma_start3A_20 = tpu.memref_slice %arg2[%dma_start3A, %add3A_4, %dma_start3A_5, %dma_start3A_19] : memref<50x8192x2x128xf32, #tpu.memory_space<hbm>> -> memref<1x128x1x128xf32, #tpu.memory_space<hbm>>
    %dma_start3A_21 = tpu.memref_squeeze %dma_start3A_20 : memref<1x128x1x128xf32, #tpu.memory_space<hbm>> -> memref<128x128xf32, #tpu.memory_space<hbm>>
    tpu.enqueue_dma source(%dma_start3A_21 : memref<128x128xf32, #tpu.memory_space<hbm>>) target(%dma_start3A_18 : memref<128x128xf32, #tpu.memory_space<vmem>>) target_semaphore(%arg5 : memref<!tpu.dma_semaphore, #tpu.memory_space<semaphore_mem>>)
    %add3A_22 = arith.constant 0 : i32
    %add3A_23 = arith.addi %mul3A_2, %add3A_22 : i32
    %dma_start3A_24 = arith.constant 2 : i32
    %dma_start3A_25 = arith.constant 1 : i32
    %dma_start3A_26 = arith.constant 0 : i32
    %dma_start3A_27 = arith.constant 1 : i32
    %dma_start3A_28 = arith.constant 0 : i32
    %dma_start3A_29 = arith.constant 0 : i32
    %dma_start3A_30 = tpu.memref_slice %arg4[%dma_start3A_26, %dma_start3A_28, %dma_start3A_27, %dma_start3A_29] : memref<2x128x2x128xf32, #tpu.memory_space<vmem>> -> memref<1x128x1x128xf32, #tpu.memory_space<vmem>>
    %dma_start3A_31 = tpu.memref_squeeze %dma_start3A_30 : memref<1x128x1x128xf32, #tpu.memory_space<vmem>> -> memref<128x128xf32, #tpu.memory_space<vmem>>
    %dma_start3A_32 = arith.constant 0 : i32
    %dma_start3A_33 = tpu.memref_slice %arg2[%dma_start3A_24, %add3A_23, %dma_start3A_25, %dma_start3A_32] : memref<50x8192x2x128xf32, #tpu.memory_space<hbm>> -> memref<1x128x1x128xf32, #tpu.memory_space<hbm>>
    %dma_start3A_34 = tpu.memref_squeeze %dma_start3A_33 : memref<1x128x1x128xf32, #tpu.memory_space<hbm>> -> memref<128x128xf32, #tpu.memory_space<hbm>>
    %dma_start3A_35 = arith.constant 0 : i32
    %dma_start3A_36 = arith.constant 0 : i32
    %dma_start3A_37 = tpu.memref_slice %arg4[%dma_start3A_26, %dma_start3A_35, %dma_start3A_27, %dma_start3A_36] : memref<2x128x2x128xf32, #tpu.memory_space<vmem>> -> memref<1x128x1x128xf32, #tpu.memory_space<vmem>>
    %dma_start3A_38 = tpu.memref_squeeze %dma_start3A_37 : memref<1x128x1x128xf32, #tpu.memory_space<vmem>> -> memref<128x128xf32, #tpu.memory_space<vmem>>
    %dma_start3A_39 = arith.constant 0 : i32
    %dma_start3A_40 = tpu.memref_slice %arg2[%dma_start3A_24, %add3A_23, %dma_start3A_25, %dma_start3A_39] : memref<50x8192x2x128xf32, #tpu.memory_space<hbm>> -> memref<1x128x1x128xf32, #tpu.memory_space<hbm>>
    %dma_start3A_41 = tpu.memref_squeeze %dma_start3A_40 : memref<1x128x1x128xf32, #tpu.memory_space<hbm>> -> memref<128x128xf32, #tpu.memory_space<hbm>>
    tpu.enqueue_dma source(%dma_start3A_41 : memref<128x128xf32, #tpu.memory_space<hbm>>) target(%dma_start3A_38 : memref<128x128xf32, #tpu.memory_space<vmem>>) target_semaphore(%arg5 : memref<!tpu.dma_semaphore, #tpu.memory_space<semaphore_mem>>)
    %add3A_42 = arith.constant 128 : i32
    %add3A_43 = arith.addi %mul3A_2, %add3A_42 : i32
    %dma_start3A_44 = arith.constant 1 : i32
    %dma_start3A_45 = arith.constant 1 : i32
    %dma_start3A_46 = arith.constant 1 : i32
    %dma_start3A_47 = arith.constant 0 : i32
    %dma_start3A_48 = arith.constant 0 : i32
    %dma_start3A_49 = arith.constant 0 : i32
    %dma_start3A_50 = tpu.memref_slice %arg4[%dma_start3A_46, %dma_start3A_48, %dma_start3A_47, %dma_start3A_49] : memref<2x128x2x128xf32, #tpu.memory_space<vmem>> -> memref<1x128x1x128xf32, #tpu.memory_space<vmem>>
    %dma_start3A_51 = tpu.memref_squeeze %dma_start3A_50 : memref<1x128x1x128xf32, #tpu.memory_space<vmem>> -> memref<128x128xf32, #tpu.memory_space<vmem>>
    %dma_start3A_52 = arith.constant 0 : i32
    %dma_start3A_53 = tpu.memref_slice %arg2[%dma_start3A_44, %add3A_43, %dma_start3A_45, %dma_start3A_52] : memref<50x8192x2x128xf32, #tpu.memory_space<hbm>> -> memref<1x128x1x128xf32, #tpu.memory_space<hbm>>
    %dma_start3A_54 = tpu.memref_squeeze %dma_start3A_53 : memref<1x128x1x128xf32, #tpu.memory_space<hbm>> -> memref<128x128xf32, #tpu.memory_space<hbm>>
    %dma_start3A_55 = arith.constant 0 : i32
    %dma_start3A_56 = arith.constant 0 : i32
    %dma_start3A_57 = tpu.memref_slice %arg4[%dma_start3A_46, %dma_start3A_55, %dma_start3A_47, %dma_start3A_56] : memref<2x128x2x128xf32, #tpu.memory_space<vmem>> -> memref<1x128x1x128xf32, #tpu.memory_space<vmem>>
    %dma_start3A_58 = tpu.memref_squeeze %dma_start3A_57 : memref<1x128x1x128xf32, #tpu.memory_space<vmem>> -> memref<128x128xf32, #tpu.memory_space<vmem>>
    %dma_start3A_59 = arith.constant 0 : i32
    %dma_start3A_60 = tpu.memref_slice %arg2[%dma_start3A_44, %add3A_43, %dma_start3A_45, %dma_start3A_59] : memref<50x8192x2x128xf32, #tpu.memory_space<hbm>> -> memref<1x128x1x128xf32, #tpu.memory_space<hbm>>
    %dma_start3A_61 = tpu.memref_squeeze %dma_start3A_60 : memref<1x128x1x128xf32, #tpu.memory_space<hbm>> -> memref<128x128xf32, #tpu.memory_space<hbm>>
    tpu.enqueue_dma source(%dma_start3A_61 : memref<128x128xf32, #tpu.memory_space<hbm>>) target(%dma_start3A_58 : memref<128x128xf32, #tpu.memory_space<vmem>>) target_semaphore(%arg5 : memref<!tpu.dma_semaphore, #tpu.memory_space<semaphore_mem>>)
    %add3A_62 = arith.constant 128 : i32
    %add3A_63 = arith.addi %mul3A_2, %add3A_62 : i32
    %dma_start3A_64 = arith.constant 2 : i32
    %dma_start3A_65 = arith.constant 1 : i32
    %dma_start3A_66 = arith.constant 1 : i32
    %dma_start3A_67 = arith.constant 1 : i32
    %dma_start3A_68 = arith.constant 0 : i32
    %dma_start3A_69 = arith.constant 0 : i32
    %dma_start3A_70 = tpu.memref_slice %arg4[%dma_start3A_66, %dma_start3A_68, %dma_start3A_67, %dma_start3A_69] : memref<2x128x2x128xf32, #tpu.memory_space<vmem>> -> memref<1x128x1x128xf32, #tpu.memory_space<vmem>>
    %dma_start3A_71 = tpu.memref_squeeze %dma_start3A_70 : memref<1x128x1x128xf32, #tpu.memory_space<vmem>> -> memref<128x128xf32, #tpu.memory_space<vmem>>
    %dma_start3A_72 = arith.constant 0 : i32
    %dma_start3A_73 = tpu.memref_slice %arg2[%dma_start3A_64, %add3A_63, %dma_start3A_65, %dma_start3A_72] : memref<50x8192x2x128xf32, #tpu.memory_space<hbm>> -> memref<1x128x1x128xf32, #tpu.memory_space<hbm>>
    %dma_start3A_74 = tpu.memref_squeeze %dma_start3A_73 : memref<1x128x1x128xf32, #tpu.memory_space<hbm>> -> memref<128x128xf32, #tpu.memory_space<hbm>>
    %dma_start3A_75 = arith.constant 0 : i32
    %dma_start3A_76 = arith.constant 0 : i32
    %dma_start3A_77 = tpu.memref_slice %arg4[%dma_start3A_66, %dma_start3A_75, %dma_start3A_67, %dma_start3A_76] : memref<2x128x2x128xf32, #tpu.memory_space<vmem>> -> memref<1x128x1x128xf32, #tpu.memory_space<vmem>>
    %dma_start3A_78 = tpu.memref_squeeze %dma_start3A_77 : memref<1x128x1x128xf32, #tpu.memory_space<vmem>> -> memref<128x128xf32, #tpu.memory_space<vmem>>
    %dma_start3A_79 = arith.constant 0 : i32
    %dma_start3A_80 = tpu.memref_slice %arg2[%dma_start3A_64, %add3A_63, %dma_start3A_65, %dma_start3A_79] : memref<50x8192x2x128xf32, #tpu.memory_space<hbm>> -> memref<1x128x1x128xf32, #tpu.memory_space<hbm>>
    %dma_start3A_81 = tpu.memref_squeeze %dma_start3A_80 : memref<1x128x1x128xf32, #tpu.memory_space<hbm>> -> memref<128x128xf32, #tpu.memory_space<hbm>>
    tpu.enqueue_dma source(%dma_start3A_81 : memref<128x128xf32, #tpu.memory_space<hbm>>) target(%dma_start3A_78 : memref<128x128xf32, #tpu.memory_space<vmem>>) target_semaphore(%arg5 : memref<!tpu.dma_semaphore, #tpu.memory_space<semaphore_mem>>)
    %dma_wait3A = arith.constant 1 : i32
    %dma_wait3A_82 = arith.constant 1 : i32
    %dma_wait3A_83 = arith.constant 0 : i32
    %dma_wait3A_84 = arith.constant 0 : i32
    %dma_wait3A_85 = arith.constant 0 : i32
    %dma_wait3A_86 = arith.constant 0 : i32
    %dma_wait3A_87 = tpu.memref_slice %arg4[%dma_wait3A_83, %dma_wait3A_85, %dma_wait3A_84, %dma_wait3A_86] : memref<2x128x2x128xf32, #tpu.memory_space<vmem>> -> memref<1x128x1x128xf32, #tpu.memory_space<vmem>>
    %dma_wait3A_88 = tpu.memref_squeeze %dma_wait3A_87 : memref<1x128x1x128xf32, #tpu.memory_space<vmem>> -> memref<128x128xf32, #tpu.memory_space<vmem>>
    %dma_wait3A_89 = arith.constant 0 : i32
    %dma_wait3A_90 = tpu.memref_slice %arg2[%dma_wait3A, %add3A_4, %dma_wait3A_82, %dma_wait3A_89] : memref<50x8192x2x128xf32, #tpu.memory_space<hbm>> -> memref<1x128x1x128xf32, #tpu.memory_space<hbm>>
    %dma_wait3A_91 = tpu.memref_squeeze %dma_wait3A_90 : memref<1x128x1x128xf32, #tpu.memory_space<hbm>> -> memref<128x128xf32, #tpu.memory_space<hbm>>
    %dma_wait3A_92 = arith.constant 0 : i32
    %dma_wait3A_93 = arith.constant 0 : i32
    %dma_wait3A_94 = tpu.memref_slice %arg4[%dma_wait3A_83, %dma_wait3A_92, %dma_wait3A_84, %dma_wait3A_93] : memref<2x128x2x128xf32, #tpu.memory_space<vmem>> -> memref<1x128x1x128xf32, #tpu.memory_space<vmem>>
    %dma_wait3A_95 = tpu.memref_squeeze %dma_wait3A_94 : memref<1x128x1x128xf32, #tpu.memory_space<vmem>> -> memref<128x128xf32, #tpu.memory_space<vmem>>
    %dma_wait3A_96 = arith.constant 0 : i32
    %dma_wait3A_97 = tpu.memref_slice %arg2[%dma_wait3A, %add3A_4, %dma_wait3A_82, %dma_wait3A_96] : memref<50x8192x2x128xf32, #tpu.memory_space<hbm>> -> memref<1x128x1x128xf32, #tpu.memory_space<hbm>>
    %dma_wait3A_98 = tpu.memref_squeeze %dma_wait3A_97 : memref<1x128x1x128xf32, #tpu.memory_space<hbm>> -> memref<128x128xf32, #tpu.memory_space<hbm>>
    tpu.wait_dma2 semaphore(%arg5 : memref<!tpu.dma_semaphore, #tpu.memory_space<semaphore_mem>>) src(%dma_wait3A_98 : memref<128x128xf32, #tpu.memory_space<hbm>>) dst(%dma_wait3A_95 : memref<128x128xf32, #tpu.memory_space<vmem>>)
    %dma_wait3A_99 = arith.constant 2 : i32
    %dma_wait3A_100 = arith.constant 1 : i32
    %dma_wait3A_101 = arith.constant 0 : i32
    %dma_wait3A_102 = arith.constant 1 : i32
    %dma_wait3A_103 = arith.constant 0 : i32
    %dma_wait3A_104 = arith.constant 0 : i32
    %dma_wait3A_105 = tpu.memref_slice %arg4[%dma_wait3A_101, %dma_wait3A_103, %dma_wait3A_102, %dma_wait3A_104] : memref<2x128x2x128xf32, #tpu.memory_space<vmem>> -> memref<1x128x1x128xf32, #tpu.memory_space<vmem>>
    %dma_wait3A_106 = tpu.memref_squeeze %dma_wait3A_105 : memref<1x128x1x128xf32, #tpu.memory_space<vmem>> -> memref<128x128xf32, #tpu.memory_space<vmem>>
    %dma_wait3A_107 = arith.constant 0 : i32
    %dma_wait3A_108 = tpu.memref_slice %arg2[%dma_wait3A_99, %add3A_23, %dma_wait3A_100, %dma_wait3A_107] : memref<50x8192x2x128xf32, #tpu.memory_space<hbm>> -> memref<1x128x1x128xf32, #tpu.memory_space<hbm>>
    %dma_wait3A_109 = tpu.memref_squeeze %dma_wait3A_108 : memref<1x128x1x128xf32, #tpu.memory_space<hbm>> -> memref<128x128xf32, #tpu.memory_space<hbm>>
    %dma_wait3A_110 = arith.constant 0 : i32
    %dma_wait3A_111 = arith.constant 0 : i32
    %dma_wait3A_112 = tpu.memref_slice %arg4[%dma_wait3A_101, %dma_wait3A_110, %dma_wait3A_102, %dma_wait3A_111] : memref<2x128x2x128xf32, #tpu.memory_space<vmem>> -> memref<1x128x1x128xf32, #tpu.memory_space<vmem>>
    %dma_wait3A_113 = tpu.memref_squeeze %dma_wait3A_112 : memref<1x128x1x128xf32, #tpu.memory_space<vmem>> -> memref<128x128xf32, #tpu.memory_space<vmem>>
    %dma_wait3A_114 = arith.constant 0 : i32
    %dma_wait3A_115 = tpu.memref_slice %arg2[%dma_wait3A_99, %add3A_23, %dma_wait3A_100, %dma_wait3A_114] : memref<50x8192x2x128xf32, #tpu.memory_space<hbm>> -> memref<1x128x1x128xf32, #tpu.memory_space<hbm>>
    %dma_wait3A_116 = tpu.memref_squeeze %dma_wait3A_115 : memref<1x128x1x128xf32, #tpu.memory_space<hbm>> -> memref<128x128xf32, #tpu.memory_space<hbm>>
    tpu.wait_dma2 semaphore(%arg5 : memref<!tpu.dma_semaphore, #tpu.memory_space<semaphore_mem>>) src(%dma_wait3A_116 : memref<128x128xf32, #tpu.memory_space<hbm>>) dst(%dma_wait3A_113 : memref<128x128xf32, #tpu.memory_space<vmem>>)
    %add3A_117 = arith.constant 0 : i32
    %add3A_118 = arith.addi %mul3A_2, %add3A_117 : i32
    %dma_start3A_119 = arith.constant 0 : i32
    %dma_start3A_120 = arith.constant 0 : i32
    %dma_start3A_121 = arith.constant 0 : i32
    %dma_start3A_122 = arith.constant 0 : i32
    %dma_start3A_123 = tpu.memref_slice %arg4[%dma_start3A_119, %dma_start3A_120, %dma_start3A_121, %dma_start3A_122] : memref<2x128x2x128xf32, #tpu.memory_space<vmem>> -> memref<1x128x2x128xf32, #tpu.memory_space<vmem>>
    %dma_start3A_124 = tpu.memref_squeeze %dma_start3A_123 : memref<1x128x2x128xf32, #tpu.memory_space<vmem>> -> memref<128x2x128xf32, #tpu.memory_space<vmem>>
    %dma_start3A_125 = arith.constant 0 : i32
    %dma_start3A_126 = arith.constant 0 : i32
    %dma_start3A_127 = tpu.memref_slice %arg3[%add3A_118, %dma_start3A_125, %dma_start3A_126] : memref<8192x2x128xf32, #tpu.memory_space<hbm>> -> memref<128x2x128xf32, #tpu.memory_space<hbm>>
    %dma_start3A_128 = arith.constant 0 : i32
    %dma_start3A_129 = arith.constant 0 : i32
    %dma_start3A_130 = tpu.memref_slice %arg3[%add3A_118, %dma_start3A_128, %dma_start3A_129] : memref<8192x2x128xf32, #tpu.memory_space<hbm>> -> memref<128x2x128xf32, #tpu.memory_space<hbm>>
    %dma_start3A_131 = arith.constant 0 : i32
    %dma_start3A_132 = arith.constant 0 : i32
    %dma_start3A_133 = arith.constant 0 : i32
    %dma_start3A_134 = tpu.memref_slice %arg4[%dma_start3A_119, %dma_start3A_131, %dma_start3A_132, %dma_start3A_133] : memref<2x128x2x128xf32, #tpu.memory_space<vmem>> -> memref<1x128x2x128xf32, #tpu.memory_space<vmem>>
    %dma_start3A_135 = tpu.memref_squeeze %dma_start3A_134 : memref<1x128x2x128xf32, #tpu.memory_space<vmem>> -> memref<128x2x128xf32, #tpu.memory_space<vmem>>
    tpu.enqueue_dma source(%dma_start3A_135 : memref<128x2x128xf32, #tpu.memory_space<vmem>>) target(%dma_start3A_130 : memref<128x2x128xf32, #tpu.memory_space<hbm>>) target_semaphore(%arg6 : memref<!tpu.dma_semaphore, #tpu.memory_space<semaphore_mem>>)
    %dma_wait3A_136 = arith.constant 1 : i32
    %dma_wait3A_137 = arith.constant 1 : i32
    %dma_wait3A_138 = arith.constant 1 : i32
    %dma_wait3A_139 = arith.constant 0 : i32
    %dma_wait3A_140 = arith.constant 0 : i32
    %dma_wait3A_141 = arith.constant 0 : i32
    %dma_wait3A_142 = tpu.memref_slice %arg4[%dma_wait3A_138, %dma_wait3A_140, %dma_wait3A_139, %dma_wait3A_141] : memref<2x128x2x128xf32, #tpu.memory_space<vmem>> -> memref<1x128x1x128xf32, #tpu.memory_space<vmem>>
    %dma_wait3A_143 = tpu.memref_squeeze %dma_wait3A_142 : memref<1x128x1x128xf32, #tpu.memory_space<vmem>> -> memref<128x128xf32, #tpu.memory_space<vmem>>
    %dma_wait3A_144 = arith.constant 0 : i32
    %dma_wait3A_145 = tpu.memref_slice %arg2[%dma_wait3A_136, %add3A_43, %dma_wait3A_137, %dma_wait3A_144] : memref<50x8192x2x128xf32, #tpu.memory_space<hbm>> -> memref<1x128x1x128xf32, #tpu.memory_space<hbm>>
    %dma_wait3A_146 = tpu.memref_squeeze %dma_wait3A_145 : memref<1x128x1x128xf32, #tpu.memory_space<hbm>> -> memref<128x128xf32, #tpu.memory_space<hbm>>
    %dma_wait3A_147 = arith.constant 0 : i32
    %dma_wait3A_148 = arith.constant 0 : i32
    %dma_wait3A_149 = tpu.memref_slice %arg4[%dma_wait3A_138, %dma_wait3A_147, %dma_wait3A_139, %dma_wait3A_148] : memref<2x128x2x128xf32, #tpu.memory_space<vmem>> -> memref<1x128x1x128xf32, #tpu.memory_space<vmem>>
    %dma_wait3A_150 = tpu.memref_squeeze %dma_wait3A_149 : memref<1x128x1x128xf32, #tpu.memory_space<vmem>> -> memref<128x128xf32, #tpu.memory_space<vmem>>
    %dma_wait3A_151 = arith.constant 0 : i32
    %dma_wait3A_152 = tpu.memref_slice %arg2[%dma_wait3A_136, %add3A_43, %dma_wait3A_137, %dma_wait3A_151] : memref<50x8192x2x128xf32, #tpu.memory_space<hbm>> -> memref<1x128x1x128xf32, #tpu.memory_space<hbm>>
    %dma_wait3A_153 = tpu.memref_squeeze %dma_wait3A_152 : memref<1x128x1x128xf32, #tpu.memory_space<hbm>> -> memref<128x128xf32, #tpu.memory_space<hbm>>
    tpu.wait_dma2 semaphore(%arg5 : memref<!tpu.dma_semaphore, #tpu.memory_space<semaphore_mem>>) src(%dma_wait3A_153 : memref<128x128xf32, #tpu.memory_space<hbm>>) dst(%dma_wait3A_150 : memref<128x128xf32, #tpu.memory_space<vmem>>)
    %dma_wait3A_154 = arith.constant 2 : i32
    %dma_wait3A_155 = arith.constant 1 : i32
    %dma_wait3A_156 = arith.constant 1 : i32
    %dma_wait3A_157 = arith.constant 1 : i32
    %dma_wait3A_158 = arith.constant 0 : i32
    %dma_wait3A_159 = arith.constant 0 : i32
    %dma_wait3A_160 = tpu.memref_slice %arg4[%dma_wait3A_156, %dma_wait3A_158, %dma_wait3A_157, %dma_wait3A_159] : memref<2x128x2x128xf32, #tpu.memory_space<vmem>> -> memref<1x128x1x128xf32, #tpu.memory_space<vmem>>
    %dma_wait3A_161 = tpu.memref_squeeze %dma_wait3A_160 : memref<1x128x1x128xf32, #tpu.memory_space<vmem>> -> memref<128x128xf32, #tpu.memory_space<vmem>>
    %dma_wait3A_162 = arith.constant 0 : i32
    %dma_wait3A_163 = tpu.memref_slice %arg2[%dma_wait3A_154, %add3A_63, %dma_wait3A_155, %dma_wait3A_162] : memref<50x8192x2x128xf32, #tpu.memory_space<hbm>> -> memref<1x128x1x128xf32, #tpu.memory_space<hbm>>
    %dma_wait3A_164 = tpu.memref_squeeze %dma_wait3A_163 : memref<1x128x1x128xf32, #tpu.memory_space<hbm>> -> memref<128x128xf32, #tpu.memory_space<hbm>>
    %dma_wait3A_165 = arith.constant 0 : i32
    %dma_wait3A_166 = arith.constant 0 : i32
    %dma_wait3A_167 = tpu.memref_slice %arg4[%dma_wait3A_156, %dma_wait3A_165, %dma_wait3A_157, %dma_wait3A_166] : memref<2x128x2x128xf32, #tpu.memory_space<vmem>> -> memref<1x128x1x128xf32, #tpu.memory_space<vmem>>
    %dma_wait3A_168 = tpu.memref_squeeze %dma_wait3A_167 : memref<1x128x1x128xf32, #tpu.memory_space<vmem>> -> memref<128x128xf32, #tpu.memory_space<vmem>>
    %dma_wait3A_169 = arith.constant 0 : i32
    %dma_wait3A_170 = tpu.memref_slice %arg2[%dma_wait3A_154, %add3A_63, %dma_wait3A_155, %dma_wait3A_169] : memref<50x8192x2x128xf32, #tpu.memory_space<hbm>> -> memref<1x128x1x128xf32, #tpu.memory_space<hbm>>
    %dma_wait3A_171 = tpu.memref_squeeze %dma_wait3A_170 : memref<1x128x1x128xf32, #tpu.memory_space<hbm>> -> memref<128x128xf32, #tpu.memory_space<hbm>>
    tpu.wait_dma2 semaphore(%arg5 : memref<!tpu.dma_semaphore, #tpu.memory_space<semaphore_mem>>) src(%dma_wait3A_171 : memref<128x128xf32, #tpu.memory_space<hbm>>) dst(%dma_wait3A_168 : memref<128x128xf32, #tpu.memory_space<vmem>>)
    %add3A_172 = arith.constant 128 : i32
    %add3A_173 = arith.addi %mul3A_2, %add3A_172 : i32
    %dma_start3A_174 = arith.constant 1 : i32
    %dma_start3A_175 = arith.constant 0 : i32
    %dma_start3A_176 = arith.constant 0 : i32
    %dma_start3A_177 = arith.constant 0 : i32
    %dma_start3A_178 = tpu.memref_slice %arg4[%dma_start3A_174, %dma_start3A_175, %dma_start3A_176, %dma_start3A_177] : memref<2x128x2x128xf32, #tpu.memory_space<vmem>> -> memref<1x128x2x128xf32, #tpu.memory_space<vmem>>
    %dma_start3A_179 = tpu.memref_squeeze %dma_start3A_178 : memref<1x128x2x128xf32, #tpu.memory_space<vmem>> -> memref<128x2x128xf32, #tpu.memory_space<vmem>>
    %dma_start3A_180 = arith.constant 0 : i32
    %dma_start3A_181 = arith.constant 0 : i32
    %dma_start3A_182 = tpu.memref_slice %arg3[%add3A_173, %dma_start3A_180, %dma_start3A_181] : memref<8192x2x128xf32, #tpu.memory_space<hbm>> -> memref<128x2x128xf32, #tpu.memory_space<hbm>>
    %dma_start3A_183 = arith.constant 0 : i32
    %dma_start3A_184 = arith.constant 0 : i32
    %dma_start3A_185 = tpu.memref_slice %arg3[%add3A_173, %dma_start3A_183, %dma_start3A_184] : memref<8192x2x128xf32, #tpu.memory_space<hbm>> -> memref<128x2x128xf32, #tpu.memory_space<hbm>>
    %dma_start3A_186 = arith.constant 0 : i32
    %dma_start3A_187 = arith.constant 0 : i32
    %dma_start3A_188 = arith.constant 0 : i32
    %dma_start3A_189 = tpu.memref_slice %arg4[%dma_start3A_174, %dma_start3A_186, %dma_start3A_187, %dma_start3A_188] : memref<2x128x2x128xf32, #tpu.memory_space<vmem>> -> memref<1x128x2x128xf32, #tpu.memory_space<vmem>>
    %dma_start3A_190 = tpu.memref_squeeze %dma_start3A_189 : memref<1x128x2x128xf32, #tpu.memory_space<vmem>> -> memref<128x2x128xf32, #tpu.memory_space<vmem>>
    tpu.enqueue_dma source(%dma_start3A_190 : memref<128x2x128xf32, #tpu.memory_space<vmem>>) target(%dma_start3A_185 : memref<128x2x128xf32, #tpu.memory_space<hbm>>) target_semaphore(%arg6 : memref<!tpu.dma_semaphore, #tpu.memory_space<semaphore_mem>>)
    %dma_wait3A_191 = arith.constant 0 : i32
    %dma_wait3A_192 = arith.constant 0 : i32
    %dma_wait3A_193 = arith.constant 0 : i32
    %dma_wait3A_194 = arith.constant 0 : i32
    %dma_wait3A_195 = tpu.memref_slice %arg4[%dma_wait3A_191, %dma_wait3A_192, %dma_wait3A_193, %dma_wait3A_194] : memref<2x128x2x128xf32, #tpu.memory_space<vmem>> -> memref<1x128x2x128xf32, #tpu.memory_space<vmem>>
    %dma_wait3A_196 = tpu.memref_squeeze %dma_wait3A_195 : memref<1x128x2x128xf32, #tpu.memory_space<vmem>> -> memref<128x2x128xf32, #tpu.memory_space<vmem>>
    %dma_wait3A_197 = arith.constant 0 : i32
    %dma_wait3A_198 = arith.constant 0 : i32
    %dma_wait3A_199 = tpu.memref_slice %arg3[%add3A_118, %dma_wait3A_197, %dma_wait3A_198] : memref<8192x2x128xf32, #tpu.memory_space<hbm>> -> memref<128x2x128xf32, #tpu.memory_space<hbm>>
    %dma_wait3A_200 = arith.constant 0 : i32
    %dma_wait3A_201 = arith.constant 0 : i32
    %dma_wait3A_202 = tpu.memref_slice %arg3[%add3A_118, %dma_wait3A_200, %dma_wait3A_201] : memref<8192x2x128xf32, #tpu.memory_space<hbm>> -> memref<128x2x128xf32, #tpu.memory_space<hbm>>
    %dma_wait3A_203 = arith.constant 0 : i32
    %dma_wait3A_204 = arith.constant 0 : i32
    %dma_wait3A_205 = arith.constant 0 : i32
    %dma_wait3A_206 = tpu.memref_slice %arg4[%dma_wait3A_191, %dma_wait3A_203, %dma_wait3A_204, %dma_wait3A_205] : memref<2x128x2x128xf32, #tpu.memory_space<vmem>> -> memref<1x128x2x128xf32, #tpu.memory_space<vmem>>
    %dma_wait3A_207 = tpu.memref_squeeze %dma_wait3A_206 : memref<1x128x2x128xf32, #tpu.memory_space<vmem>> -> memref<128x2x128xf32, #tpu.memory_space<vmem>>
    tpu.wait_dma2 semaphore(%arg6 : memref<!tpu.dma_semaphore, #tpu.memory_space<semaphore_mem>>) src(%dma_wait3A_207 : memref<128x2x128xf32, #tpu.memory_space<vmem>>) dst(%dma_wait3A_202 : memref<128x2x128xf32, #tpu.memory_space<hbm>>)
    %dma_wait3A_208 = arith.constant 1 : i32
    %dma_wait3A_209 = arith.constant 0 : i32
    %dma_wait3A_210 = arith.constant 0 : i32
    %dma_wait3A_211 = arith.constant 0 : i32
    %dma_wait3A_212 = tpu.memref_slice %arg4[%dma_wait3A_208, %dma_wait3A_209, %dma_wait3A_210, %dma_wait3A_211] : memref<2x128x2x128xf32, #tpu.memory_space<vmem>> -> memref<1x128x2x128xf32, #tpu.memory_space<vmem>>
    %dma_wait3A_213 = tpu.memref_squeeze %dma_wait3A_212 : memref<1x128x2x128xf32, #tpu.memory_space<vmem>> -> memref<128x2x128xf32, #tpu.memory_space<vmem>>
    %dma_wait3A_214 = arith.constant 0 : i32
    %dma_wait3A_215 = arith.constant 0 : i32
    %dma_wait3A_216 = tpu.memref_slice %arg3[%add3A_173, %dma_wait3A_214, %dma_wait3A_215] : memref<8192x2x128xf32, #tpu.memory_space<hbm>> -> memref<128x2x128xf32, #tpu.memory_space<hbm>>
    %dma_wait3A_217 = arith.constant 0 : i32
    %dma_wait3A_218 = arith.constant 0 : i32
    %dma_wait3A_219 = tpu.memref_slice %arg3[%add3A_173, %dma_wait3A_217, %dma_wait3A_218] : memref<8192x2x128xf32, #tpu.memory_space<hbm>> -> memref<128x2x128xf32, #tpu.memory_space<hbm>>
    %dma_wait3A_220 = arith.constant 0 : i32
    %dma_wait3A_221 = arith.constant 0 : i32
    %dma_wait3A_222 = arith.constant 0 : i32
    %dma_wait3A_223 = tpu.memref_slice %arg4[%dma_wait3A_208, %dma_wait3A_220, %dma_wait3A_221, %dma_wait3A_222] : memref<2x128x2x128xf32, #tpu.memory_space<vmem>> -> memref<1x128x2x128xf32, #tpu.memory_space<vmem>>
    %dma_wait3A_224 = tpu.memref_squeeze %dma_wait3A_223 : memref<1x128x2x128xf32, #tpu.memory_space<vmem>> -> memref<128x2x128xf32, #tpu.memory_space<vmem>>
    tpu.wait_dma2 semaphore(%arg6 : memref<!tpu.dma_semaphore, #tpu.memory_space<semaphore_mem>>) src(%dma_wait3A_224 : memref<128x2x128xf32, #tpu.memory_space<vmem>>) dst(%dma_wait3A_219 : memref<128x2x128xf32, #tpu.memory_space<hbm>>)
    return
  }
}

</mosaic_0001>

<sc_bundles>
// kernel: _run.3.cloned.1.call-start
scs
__scs_entry_jumppad:
0x0: {  	(pc) =	sbr.rel $0x88, $3  }
0x1: {  	(tag) =	ssettag $0x0;
	lr =	simm.s32 $0x1  }
0x2: {  	[smem:$0x3FA0] =	sst lr;
	_ =	strace $0xD0000000  }
0x3: {  	_ = 	snop  }
0x4: {  	_ = 	snop  }
0x5: {  	_ = 	snop  }
0x6: {  	_ = 	snop  }
0x7: {  	_ = 	snop  }
__scs_overlays_trampoline_lowered:
0x8: {  	[smem:$0x3FAF] =	sst s0  }
0x9: {  	[smem:$0x3FB0] =	sst s1  }
0xa: {  	[smem:$0x3FB1] =	sst s2  }
0xb: {  	[smem:$0x3FB2] =	sst s3  }
0xc: {  	[smem:$0x3FB3] =	sst s4  }
0xd: {  	[smem:$0x3FB4] =	sst s5  }
0xe: {  	[smem:$0x3FB5] =	sst s6  }
0xf: {  	[smem:$0x3FB6] =	sst s7  }
0x10: {  	[smem:$0x3FB7] =	sst s8  }
0x11: {  	[smem:$0x3FB8] =	sst s9;
	s0 =	simm.s32 @!p0 $0x0  }
0x12: {  	s1 =	sld [smem:$0x3F9E];
	s0 =	simm.s32 @p0 $0x1  }
0x13: {  	[smem:$0x3FB9] =	sst s0;
	s0 =	simm.s32 @!p1 $0x0  }
0x14: {  	s2 =	sld [smem:$0x3F9D];
	s0 =	simm.s32 @p1 $0x1  }
0x15: {  	[smem:$0x3FBA] =	sst s0;
	s0 =	simm.s32 @!p2 $0x0  }
0x16: {  	s3 =	sld [smem:$0x3FDB];
	s0 =	simm.s32 @p2 $0x1  }
0x17: {  	s4 =	simm.s32 $0x1BF5;
	[smem:$0x3FBC] =	sst s0  }
0x18: {  	s0 =	sld [smem:$0x3F9F];
	_ =	swait.ge [sflag:s4], $0x0  }
0x19: {  	s7 =	sld [smem:$0x3FA0]  }
0x1a: {  	s8 =	sadd.s32 $0xFFFFE003, lr  }
0x1b: {  	s9 =	sadd.s32 $0xFFFFFEF7, lr;
	s5 =	simm.s32 $0xFFFFFFFF;
	p2 =	slt.u32 s8, $0xFFFFF086  }
0x1c: {  	p1 =	slt.u32 s9, $0xF7A;
	s5 =	simm.s32 @!p2 $0x0  }
0x1d: {  	s5 =	simm.s32 @p1 $0x1;
	p0 =	seq.s32 s7, s2  }
0x1e: {  	s7 =	smul.u32 @!p0 $0xF7A, s2;
	p2 =	seq.s32 @!p0 s5, $0x0  }
0x1f: {  	s9 =	smul.u32 $0xF7A, s1;
	s8 =	simm.s32 @!p0 $0x1BF5;
	p2 =	por !p2, p0  }
0x20: {  	[sflag:s8] =	ssyncset.s32 @!p0 $0xFFFFF086;
	s6 =	sadd.s32 @!p0 s3, s7;
	s7 =	simm.s32 @!p0 $0x108  }
0x21: {  	s3 =	sadd.s32 s3, s9;
	s6 =	sadd.s32 @!p0 $0x88, s6;
	s7 =	simm.s32 @p2 $0x1082  }
0x22: {  	[simem:s7], [sflag:s8] =	dma.local @!p0 [hbm:s6], $0xF7A  }
0x23: {  	s9 =	sor.u32 $0xD0000000, s2;
	s6 =	simm.s32 $0x108;
	_ =	swait.ge @!p0 [sflag:s8], $0x0  }
0x24: {  	s3 =	sadd.s32 $0x88, s3;
	s6 =	simm.s32 @!p1 $0x1082;
	[sflag:s4] =	ssyncset.s32 $0xFFFFF086  }
0x25: {  	[simem:s6], [sflag:s4] =	dma.local [hbm:s3], $0xF7A  }
0x26: {  	[smem:$0x3FA0] =	sst s1;
	(tag) =	ssettag s2;
	_ =	strace s9  }
0x27: {  	s1 =	sld [smem:$0x3FB0]  }
0x28: {  	s2 =	sld [smem:$0x3FB1]  }
0x29: {  	s4 =	sld [smem:$0x3FB3]  }
0x2a: {  	p0 =	seq.s32 s5, $0x0;
	s5 =	sld [smem:$0x3FB4]  }
0x2b: {  	s6 =	sld [smem:$0x3FB5]  }
0x2c: {  	s7 =	sld [smem:$0x3FB6]  }
0x2d: {  	s3 =	simm.s32 $0x108;
	s8 =	sld [smem:$0x3FB7]  }
0x2e: {  	s3 =	simm.s32 @!p0 $0x1082;
	s9 =	sld [smem:$0x3FB8]  }
0x2f: {  	lr =	sadd.s32 s0, s3;
	s0 =	sld [smem:$0x3FAF]  }
0x30: {  	s3 =	sld [smem:$0x3FB2]  }
0x31: {  	[smem:$0x3FBB] =	sst s10  }
0x32: {  	s10 =	sld [smem:$0x3FB9];
	_ =	sdelay $0x3  }
0x33: {  	p0 =	seq.s32 s10, $0x1;
	s10 =	sld [smem:$0x3FBB];
	_ =	sdelay $0x3  }
0x34: {  	[smem:$0x3FBB] =	sst s10  }
0x35: {  	s10 =	sld [smem:$0x3FBA];
	_ =	sdelay $0x3  }
0x36: {  	p1 =	seq.s32 s10, $0x1;
	s10 =	sld [smem:$0x3FBB];
	_ =	sdelay $0x3  }
0x37: {  	[smem:$0x3FBB] =	sst s10  }
0x38: {  	s10 =	sld [smem:$0x3FBC]  }
0x39: {  	_ = 	snop;
	(pc) =	sbr.ind lr, $3  }
0x3a: {  	_ = 	snop  }
0x3b: {  	_ = 	snop  }
0x3c: {  	p2 =	seq.s32 s10, $0x1;
	s10 =	sld [smem:$0x3FBB]  }
0x3d: {  	_ =	shalt  }
0x3e: {  	_ =	shalt  }
0x3f: {  	_ =	shalt  }
0x40: {  	_ =	shalt  }
0x41: {  	_ =	shalt  }
0x42: {  	_ =	shalt  }
0x43: {  	_ =	shalt  }
0x44: {  	_ =	shalt  }
0x45: {  	_ =	shalt  }
0x46: {  	_ =	shalt  }
0x47: {  	_ =	shalt  }
0x48: {  	_ =	shalt  }
0x49: {  	_ =	shalt  }
0x4a: {  	_ =	shalt  }
0x4b: {  	_ =	shalt  }
0x4c: {  	_ =	shalt  }
0x4d: {  	_ =	shalt  }
0x4e: {  	_ =	shalt  }
0x4f: {  	_ =	shalt  }
0x50: {  	_ =	shalt  }
0x51: {  	_ =	shalt  }
0x52: {  	_ =	shalt  }
0x53: {  	_ =	shalt  }
0x54: {  	_ =	shalt  }
0x55: {  	_ =	shalt  }
0x56: {  	_ =	shalt  }
0x57: {  	_ =	shalt  }
0x58: {  	_ =	shalt  }
0x59: {  	_ =	shalt  }
0x5a: {  	_ =	shalt  }
0x5b: {  	_ =	shalt  }
0x5c: {  	_ =	shalt  }
0x5d: {  	_ =	shalt  }
0x5e: {  	_ =	shalt  }
0x5f: {  	_ =	shalt  }
0x60: {  	_ =	shalt  }
0x61: {  	_ =	shalt  }
0x62: {  	_ =	shalt  }
0x63: {  	_ =	shalt  }
0x64: {  	_ =	shalt  }
0x65: {  	_ =	shalt  }
0x66: {  	_ =	shalt  }
0x67: {  	_ =	shalt  }
0x68: {  	_ =	shalt  }
0x69: {  	_ =	shalt  }
0x6a: {  	_ =	shalt  }
0x6b: {  	_ =	shalt  }
0x6c: {  	_ =	shalt  }
0x6d: {  	_ =	shalt  }
0x6e: {  	_ =	shalt  }
0x6f: {  	_ =	shalt  }
0x70: {  	_ =	shalt  }
0x71: {  	_ =	shalt  }
0x72: {  	_ =	shalt  }
0x73: {  	_ =	shalt  }
0x74: {  	_ =	shalt  }
0x75: {  	_ =	shalt  }
0x76: {  	_ =	shalt  }
0x77: {  	_ =	shalt  }
0x78: {  	_ =	shalt  }
0x79: {  	_ =	shalt  }
0x7a: {  	_ =	shalt  }
0x7b: {  	_ =	shalt  }
0x7c: {  	_ =	shalt  }
0x7d: {  	_ =	shalt  }
0x7e: {  	_ =	shalt  }
0x7f: {  	_ =	shalt  }
0x80: {  	_ =	shalt  }
0x81: {  	_ =	shalt  }
0x82: {  	_ =	shalt  }
0x83: {  	_ =	shalt  }
0x84: {  	_ =	shalt  }
0x85: {  	_ =	shalt  }
0x86: {  	_ =	shalt  }
0x87: {  	_ =	shalt  }
.Lfunc_end0:
.L_simem_size_0:
called_computation_lowered:
.L_overlay_start_0:
0x88: {  	s2 =	sld [smem:$0x3FD9]  }
0x89: {  	s3 =	sld [smem:$0x3FFE];
	_ =	sdelay $0x1  }
0x8a: {  	s1 =	srdreg.scid  }
0x8b: {  	s0 =	sand.u32 $0x1, s1  }
0x8c: {  	s18 =	sshll.u32 s0, $0xA;
	s2 =	sadd.s32 s3, s2  }
0x8d: {  	s2 =	sadd.s32 s2, s18  }
0x8e: {  	[smem:$0x3FC7] =	sst s2  }
0x8f: {  	_ = 	snop  }
0x90: {  	s2 =	sld [smem:$0x3FC9]  }
0x91: {  	s19 =	sld [smem:$0x3FD0];
	(tm) =	ssettm $0x1  }
0x92: {  	s4 =	sld [smem:$0x3FFB];
	_ =	sdelay $0x3  }
0x93: {  	_ =	strace s4  }
0x94: {  	s4 =	sld [smem:$0x3FFC];
	_ =	sdelay $0x3  }
0x95: {  	_ =	strace s4  }
0x96: {  	s4 =	sld [smem:$0x3FFD];
	_ =	sdelay $0x3  }
0x97: {  	_ =	strace s4  }
0x98: {  	_ =	strace $0x8FFFFFFF  }
0x99: {  	s20 =	sld [smem:$0x3FDB];
	_ =	sdelay $0x1  }
0x9a: {  	s5 =	simm.s32 $_scs_section_size  }
0x9b: {  	s6 =	simm.s32 $_size__tile_overlayer_lowered;
	s7 =	simm.s32 $_tile_overlayer_lowered  }
0x9c: {  	s23 =	simm.s32 $0x1BFF;
	s22 =	sshll.u32 s7, $0x1;
	s4 =	sadd.s32 s5, s20  }
0x9d: {  	s8 =	simm.s32 $0x0;
	s21 =	sshll.u32 s6, $0x1;
	s6 =	sadd.s32 s22, s4  }
0x9e: {  	[timem:s8], [sflag:s23] =	dma.local [hbm:s6], s21  }
0x9f: {  	_ =	swait.ge [sflag:s23], s21  }
0xa0: {  	s5 =	ssub.s32 $0x0, s21;
	[sflag:s23] =	ssyncset.done $0x0  }
0xa1: {  	[sflag:s23] =	ssyncadd.s32 s5;
	_ =	sdelay $0x1  }
0xa2: {  	s24 =	simm.s32 $0x1B8B  }
0xa3: {  	_ =	swait.ge [sflag:s24], $0x1  }
0xa4: {  	[sflag:s24] =	ssyncset.done $0x0  }
0xa5: {  	s25 =	simm.s32 $0x1B8E;
	[sflag:s24] =	ssyncadd.s32 $0xFFFFFFFF  }
0xa6: {  	s26 =	simm.s32 $execute0_lowered;
	[smem:$0x3FD2] =	sst s25  }
0xa7: {  	s5 =	sshll.u32 s26, $0x1;
	_ =	strace $0x80000046;
	[dreg:$0x1] =	wrdreg $0xFFFFFFFF  }
0xa8: {  	s28 =	simm.s32 $_size_execute0_lowered;
	s4 =	sadd.s32 s4, s5;
	[dreg:$0x0] =	wrdreg $0x0  }
0xa9: {  	s5 =	sshll.u32 s28, $0x1;
	[dreg:$0x2] =	wrdreg s4  }
0xaa: {  	[dreg:$0x3] =	wrdreg s5  }
0xab: {  	[dreg:$0x4] =	wrdreg $0xC0  }
0xac: {  	_ =	task [dreg:s8], $0x5FFFF  }
0xad: {  	[dreg:$0x1] =	wrdreg $0xFFFFFFFF  }
0xae: {  	[dreg:$0x0] =	wrdreg $0x60  }
0xaf: {  	[dreg:$0x2] =	wrdreg s2  }
0xb0: {  	[dreg:$0x3] =	wrdreg s19  }
0xb1: {  	[dreg:$0x4] =	wrdreg $0x9  }
0xb2: {  	_ =	task.clear_ibuf [dreg:s8], $0x5FFFF;
	_ =	strace $0x90000046  }
0xb3: {  	s29 =	simm.s32 $0x9;
	_ =	strace $0x80000048  }
0xb4: {  	_ =	swait.ge [sflag:s29], $0x1  }
0xb5: {  	[sflag:s29] =	ssyncadd.s32 $0xFFFFFFFF  }
0xb6: {  	_ =	strace $0x90000048  }
0xb7: {  	_ =	sfence  }
0xb8: {  	s30 =	sld [smem:$0x0];
	_ =	sdelay $0x2  }
0xb9: {  	s31 =	sshll.u32 s1, $0xD;
	s1 =	sshrl.u32 s1, $0x2  }
0xba: {  	s3 =	sand.u32 $0x4000, s31;
	s1 =	sadd.s32 s1, s30  }
0xbb: {  	s0 =	sor.u32 s3, s0;
	s1 =	sshll.u32 s1, $0x11  }
0xbc: {  	s0 =	sor.u32 s1, s0  }
0xbd: {  	s0 =	sadd.s32 $0x8F2B, s0  }
0xbe: {  	[sflag:s0] =	ssyncadd.remote.s32 $0x1  }
0xbf: {  	_ =	sfence.sel $0xFFFF  }
0xc0: {  	[dreg:$0x0] =	wrdreg $0xFFFFFFFF;
	(pc) =	sbr.abs _section_cstart, $3  }
0xc1: {  	[dreg:$0x1] =	wrdreg $0xFFFFFFFF  }
0xc2: {  	_ =	task.clear_ibuf [dreg:s8], $0x2FFFF;
	_ =	strace $0x9FFFFFFF  }
0xc3: {  	(tm) =	ssettm $0x7FFFFFFF  }
tec
execute0_lowered:
.L_overlay_start_1:
0x0: {  	(tag) =	ssettag $0x1  }
0x1: {  	s3 =	rddreg [dreg:$0x0]  }
0x2: {  	s7 =	rddreg [dreg:$0x1];
	s2 =	srdreg.scid  }
0x3: {  	s0 =	rddreg [dreg:$0x2];
	s1 =	stileid.u32;
	s10 =	simm.s32 $0x1  }
0x4: {  	s11 =	simm.s32 $0x8000;
	s12 =	simm.s32 $0x2;
	s13 =	simm.s32 $0x0  }
0x5: {  	s4 =	sand.u32 $0x1, s2;
	s2 =	simm.s32 $0x0;
	s5 =	sshll.u32 s1, $0xE  }
0x6: {  	s6 =	sshll.u32 s4, $0xD;
	[smem:$0x7FF] =	sst s2;
	s4 =	ssub.s32 $0x2, s4  }
0x7: {  	s8 =	sor.u32 s6, s5;
	_ =	strace $0x80000047;
	s31 =	sshrl.u32 s4, $0x1  }
0x8: {  	s6 =	sadd.s32 s8, s3;
	s9 =	ssub.s32 s4, s31;
	s7 =	sadd.s32 s7, s8  }
0x9: {  	s3 =	sadd.s32 $0x40010, s6;
	s4 =	sadd.s32 $0x80010, s6;
	s5 =	sadd.s32 $0x41010, s6  }
0xa: {  	s6 =	sadd.s32 $0x81010, s6;
	s8 =	sadd.s32 $0x1000, s7;
	s9 =	smax.u32 s9, $0x1  }
.LBB2_1:
0xb: {  	s14 =	simm.s32 $0x20  }
0xc: {  	s17 =	sadd.s32 $0x0, s3;
	s15 =	simm.s32 $0x100;
	s16 =	simm.s32 $0x0  }
.LBB2_2:
0xd: {  	[tilespmem:s16], [sflag:$0x1] =	stream.linear.gather [hbm4b:s17+s2], $0x80, $0x38;
	[tilespmem:$0x10000] =	vst v63  }
0xe: {  	s17 =	smov.u32 s14;
	s16 =	smov.u32 s15;
	p0 =	sne.s32 s14, $0xFE0  }
.Ltmp0:
0xf: {  	s14 =	sadd.s32 $0x20, s14;
	(pc) =	sbr.rel @p0 .LBB2_2-.Ltmp0, $2  }
0x10: {  	_ =	sdelay $0x2  }
0x11: {  	s15 =	sadd.s32 $0x100, s15;
	s17 =	sadd.s32 s17, s3  }
0x12: {  	[tilespmem:s16], [sflag:$0x1] =	stream.linear.gather [hbm4b:s17+s2], $0x80, $0x38;
	[tilespmem:$0x10000] =	vst v63  }
0x13: {  	s14 =	simm.s32 $0x80  }
0x14: {  	s15 =	simm.s32 $0x20;
	s17 =	sadd.s32 $0x0, s4;
	s16 =	simm.s32 $0x180  }
.LBB2_4:
0x15: {  	[tilespmem:s14], [sflag:$0x1] =	stream.linear.gather [hbm4b:s17+s2], $0x80, $0x38;
	[tilespmem:$0x10000] =	vst v63  }
0x16: {  	s17 =	smov.u32 s15;
	s14 =	smov.u32 s16;
	p0 =	sne.s32 s15, $0xFE0  }
.Ltmp1:
0x17: {  	s15 =	sadd.s32 $0x20, s15;
	(pc) =	sbr.rel @p0 .LBB2_4-.Ltmp1, $2  }
0x18: {  	_ =	sdelay $0x2  }
0x19: {  	s16 =	sadd.s32 $0x100, s16;
	s17 =	sadd.s32 s17, s4  }
0x1a: {  	[tilespmem:s14], [sflag:$0x1] =	stream.linear.gather [hbm4b:s17+s2], $0x80, $0x38;
	[tilespmem:$0x10000] =	vst v63  }
0x1b: {  	s14 =	simm.s32 $0x8000  }
0x1c: {  	s15 =	simm.s32 $0x20;
	s17 =	sadd.s32 $0x0, s5;
	s16 =	simm.s32 $0x8100  }
.LBB2_6:
0x1d: {  	[tilespmem:s14], [sflag:$0x1] =	stream.linear.gather [hbm4b:s17+s2], $0x80, $0x38;
	[tilespmem:$0x10000] =	vst v63  }
0x1e: {  	s17 =	smov.u32 s15;
	s14 =	smov.u32 s16;
	p0 =	sne.s32 s15, $0xFE0  }
.Ltmp2:
0x1f: {  	s15 =	sadd.s32 $0x20, s15;
	(pc) =	sbr.rel @p0 .LBB2_6-.Ltmp2, $2  }
0x20: {  	_ =	sdelay $0x2  }
0x21: {  	s16 =	sadd.s32 $0x100, s16;
	s17 =	sadd.s32 s17, s5  }
0x22: {  	[tilespmem:s14], [sflag:$0x1] =	stream.linear.gather [hbm4b:s17+s2], $0x80, $0x38;
	[tilespmem:$0x10000] =	vst v63  }
0x23: {  	s14 =	simm.s32 $0x8080  }
0x24: {  	s15 =	simm.s32 $0x20;
	s17 =	sadd.s32 $0x0, s6;
	s16 =	simm.s32 $0x8180  }
.LBB2_8:
0x25: {  	[tilespmem:s14], [sflag:$0x1] =	stream.linear.gather [hbm4b:s17+s2], $0x80, $0x38;
	[tilespmem:$0x10000] =	vst v63  }
0x26: {  	s17 =	smov.u32 s15;
	s14 =	smov.u32 s16;
	p0 =	sne.s32 s15, $0xFE0  }
.Ltmp3:
0x27: {  	s15 =	sadd.s32 $0x20, s15;
	(pc) =	sbr.rel @p0 .LBB2_8-.Ltmp3, $2  }
0x28: {  	_ =	sdelay $0x2  }
0x29: {  	s16 =	sadd.s32 $0x100, s16;
	s17 =	sadd.s32 s17, s6  }
0x2a: {  	[tilespmem:s14], [sflag:$0x1] =	stream.linear.gather [hbm4b:s17+s2], $0x80, $0x38;
	[tilespmem:$0x10000] =	vst v63  }
0x2b: {  	_ =	swait.ge [sflag:s10], $0x4000  }
0x2c: {  	[sflag:s10] =	ssyncset.done $0x0  }
0x2d: {  	[sflag:s10] =	ssyncadd.s32 $0xFFFFC000  }
0x2e: {  	_ =	swait.ge [sflag:s10], $0x4000  }
0x2f: {  	[sflag:s10] =	ssyncset.done $0x0  }
0x30: {  	[sflag:s10] =	ssyncadd.s32 $0xFFFFC000  }
0x31: {  	[hbm4b:s7+s2] =	stream.linear.scatter [tilespmem:s2], [sflag:$0x2], $0x8000, $0x38;
	[tilespmem:$0x10000] =	vst v63  }
0x32: {  	_ =	swait.ge [sflag:s10], $0x4000  }
0x33: {  	[sflag:s10] =	ssyncset.done $0x0  }
0x34: {  	[sflag:s10] =	ssyncadd.s32 $0xFFFFC000  }
0x35: {  	_ =	swait.ge [sflag:s10], $0x4000  }
0x36: {  	[sflag:s10] =	ssyncset.done $0x0  }
0x37: {  	s13 =	sadd.s32 $0x1, s13;
	[sflag:s10] =	ssyncadd.s32 $0xFFFFC000  }
0x38: {  	[hbm4b:s8+s2] =	stream.linear.scatter [tilespmem:s11], [sflag:$0x2], $0x8000, $0x38;
	[tilespmem:$0x10000] =	vst v63  }
0x39: {  	p0 =	sne.s32 s13, s9;
	_ =	swait.ge [sflag:s12], $0x8000  }
.Ltmp4:
0x3a: {  	[sflag:s12] =	ssyncset.done $0x0;
	(pc) =	sbr.rel @p0 .LBB2_1-.Ltmp4, $4  }
0x3b: {  	[sflag:s12] =	ssyncadd.s32 $0xFFFF8000  }
0x3c: {  	_ =	swait.ge [sflag:s12], $0x8000  }
0x3d: {  	[sflag:s12] =	ssyncset.done $0x0  }
0x3e: {  	[sflag:s12] =	ssyncadd.s32 $0xFFFF8000  }
0x3f: {  	_ =	sfence.sel $0x180000  }
0x40: {  	[bflag:$0x0] =	sbarrier.arrive $0xFFFF  }
0x41: {  	p0 =	sne.s32 s1, $0x0;
	_ =	strace $0x90000047  }
0x42: {  	s0 =	sadd.s32 @!p0 $0x100000, s0;
	[bflag:$0x2] =	sbarrier.arrive $0xFFFF  }
0x43: {  	[sflag:s0] =	ssyncadd.tile.s32 @!p0 $0x1;
	_ =	shalt  }
.Lfunc_end2:
_tile_overlayer_lowered:
.L_overlay_start_2:
0x44: {  	(tag) =	ssettag $0x2  }
0x45: {  	s0 =	rddreg [dreg:$0x0];
	s2 =	stileid.u32  }
0x46: {  	s1 =	rddreg [dreg:$0x1];
	p0 =	sne.s32 s2, $0x0  }
0x47: {  	s3 =	rddreg [dreg:$0x2];
	[bflag:$0x3] =	sbarrier.arrive $0xFFFF;
	s2 =	simm.s32 @!p0 $0x1C03  }
0x48: {  	[timem:s3], [sflag:s2] =	dma.local @!p0 [hbm:s0], s1  }
0x49: {  	s0 =	simm.s32 @!p0 $0x3  }
0x4a: {  	_ =	swait.ge @!p0 [sflag:s0], s1  }
0x4b: {  	s1 =	ssub.s32 @!p0 $0x0, s1;
	[sflag:s0] =	ssyncset.done @!p0 $0x0  }
0x4c: {  	[sflag:s0] =	ssyncadd.s32 @!p0 s1  }
0x4d: {  	[bflag:$0x3] =	sbarrier.arrive $0xFFFF  }
0x4e: {  	_ =	shalt  }

</sc_bundles>
